<compile_context>
chip_gen: v7x
topology: tpu7x:2x2x1
jax: 0.10.2.dev20260603
libtpu: 0.0.44.dev20260713+nightly
codegen_flags: <defaults>
</compile_context>

<pallas_src>
import functools
import math

import jax
import jax.numpy as jnp
from jax import lax
from jax.experimental import pallas as pl
from jax.experimental.pallas import tpu as pltpu
from jax.experimental.pallas import tpu_sc as plsc

_E = 16
_D = 2048
_BLK = 1024
_NW = 32
_N = 8192
_CHUNK = _N // _NW
_ROWS = _CHUNK // 128


def _router_body(x_ref, W_ref, b_ref, probs_ref, a_ref, d_ref, acc_ref):
    i = pl.program_id(0)
    logits = jax.lax.dot_general(
        W_ref[...], x_ref[...],
        dimension_numbers=(((1,), (1,)), ((), ())),
        preferred_element_type=jnp.float32,
    ) + b_ref[...]
    m = jnp.max(logits, axis=0, keepdims=True)
    e = jnp.exp(logits - m)
    s = jnp.sum(e, axis=0, keepdims=True)
    probs_ref[...] = jnp.transpose(e / s, (1, 0))
    lse = m + jnp.log(s)
    half0 = jnp.sum(logits[: _E // 2, :], axis=0, keepdims=True)
    half1 = jnp.sum(logits[_E // 2 :, :], axis=0, keepdims=True)
    d_ref[...] = jnp.reshape(half1 - half0, (_BLK // 128, 128))
    part = jnp.sum(lse - 0.125 * half0)

    @pl.when(i == 0)
    def _init():
        acc_ref[0] = 0.0

    acc_ref[0] += part

    @pl.when(i == pl.num_programs(0) - 1)
    def _fin():
        a_ref[0, 0] = acc_ref[0]


def _kl_sc_body(bits_hbm, d_hbm, out_hbm, bits_v, d_v, part_v):
    wid = lax.axis_index("s") * 2 + lax.axis_index("c")
    base = wid * _ROWS
    pltpu.sync_copy(bits_hbm.at[pl.ds(base, _ROWS), :], bits_v)
    pltpu.sync_copy(d_hbm.at[pl.ds(base, _ROWS), :], d_v)
    acc = jnp.zeros((16,), jnp.float32)
    for j in range(_CHUNK // 16):
        r, col = divmod(j * 16, 128)
        bv = bits_v[r, pl.ds(col, 16)]
        dv = d_v[r, pl.ds(col, 16)]
        acc = acc + jnp.where(bv == 1, dv, jnp.float32(0.0))
    part_v[...] = acc
    pltpu.sync_copy(part_v, out_hbm.at[wid])


@jax.jit
def kernel(x, bits, W, b):
    n = x.shape[0]
    nblk = n // _BLK
    bits2 = bits.astype(jnp.int32).reshape(n // 128, 128)
    b2 = b.astype(jnp.float32).reshape(_E, 1)
    probs, a, d64 = pl.pallas_call(
        _router_body,
        grid=(nblk,),
        in_specs=[
            pl.BlockSpec((_BLK, _D), lambda i: (i, 0)),
            pl.BlockSpec((_E, _D), lambda i: (0, 0)),
            pl.BlockSpec((_E, 1), lambda i: (0, 0)),
        ],
        out_specs=[
            pl.BlockSpec((_BLK, _E), lambda i: (i, 0)),
            pl.BlockSpec(memory_space=pltpu.SMEM),
            pl.BlockSpec((_BLK // 128, 128), lambda i: (i, 0)),
        ],
        out_shape=[
            jax.ShapeDtypeStruct((n, _E), jnp.float32),
            jax.ShapeDtypeStruct((1, 1), jnp.float32),
            jax.ShapeDtypeStruct((n // 128, 128), jnp.float32),
        ],
        scratch_shapes=[pltpu.SMEM((1,), jnp.float32)],
    )(x, W, b2)

    sc_kl = functools.partial(
        pl.kernel,
        mesh=plsc.VectorSubcoreMesh(core_axis_name="c", subcore_axis_name="s"),
        out_type=jax.ShapeDtypeStruct((_NW, 16), jnp.float32),
        scratch_types=[
            pltpu.VMEM((_ROWS, 128), jnp.int32),
            pltpu.VMEM((_ROWS, 128), jnp.float32),
            pltpu.VMEM((16,), jnp.float32),
        ],
    )(_kl_sc_body)
    parts = sc_kl(bits2, d64)

    kl = (a[0, 0] - 0.125 * jnp.sum(parts)) / n - math.log(8.0)
    return (probs, kl)

# --- scband reference (transcript-rebuilt; emitter-appended) ---
"""Pipeline reference for scband-stego-router-16913581211776 (READ-ONLY COPY).

The authoritative reference and input builder live on the scoring server;
editing this copy changes nothing except your own understanding.
"""

import jax, jax.numpy as jnp
import numpy as np

EMBED_DIM = 2048
NUM_EXPERTS = 16
N_TOKENS = 8192

def setup_inputs(seed: int = 0) -> dict:
    key = jax.random.key(seed)
    k1, k2, k3, k4 = jax.random.split(key, 4)
    x = jax.random.normal(k1, (N_TOKENS, EMBED_DIM), dtype=jnp.float32)
    bits = jax.random.randint(k2, (N_TOKENS,), 0, 2, dtype=jnp.int64)
    bound = 1.0 / np.sqrt(EMBED_DIM)
    W = jax.random.uniform(k3, (NUM_EXPERTS, EMBED_DIM), minval=-bound, maxval=bound, dtype=jnp.float32)
    b = jax.random.uniform(k4, (NUM_EXPERTS,), minval=-bound, maxval=bound, dtype=jnp.float32)
    return {"x": x, "bits": bits, "W": W, "b": b}

def reference(x, bits, W, b):
    E = W.shape[0]
    half = E // 2
    logits = x @ W.T + b
    probs = jax.nn.softmax(logits, axis=-1)
    # per-token target: uniform over first half if bit==0 else uniform over second half
    t0 = jnp.concatenate([jnp.full((half,), 1.0 / half, dtype=jnp.float32), jnp.zeros((half,), dtype=jnp.float32)])
    t1 = jnp.concatenate([jnp.zeros((half,), dtype=jnp.float32), jnp.full((E - half,), 1.0 / (E - half), dtype=jnp.float32)])
    targets = jnp.where((bits == 0)[:, None], t0[None, :], t1[None, :])
    log_probs = jnp.log(probs)
    # PyTorch F.kl_div(log_probs, targets, reduction='batchmean') = sum(xlogy(t, t) - t*log_probs) / batch
    pointwise = jnp.where(targets > 0, targets * (jnp.log(jnp.where(targets > 0, targets, 1.0)) - log_probs), 0.0)
    kl = jnp.sum(pointwise) / x.shape[0]
    return (probs, kl)

if __name__ == "__main__":
    import jax
    _d = setup_inputs()
    print(jax.jit(kernel)(*tuple(_d.values())))

</pallas_src>

<mosaic_0001>
#map = affine_map<(d0, d1) -> (0, 0)>
module attributes {stable_mosaic.version = 14 : i64} {
  func.func @_kl_sc_body(%arg0: i32, %arg1: i32, %arg2: memref<64x128xi32, #tpu.memory_space<hbm>>, %arg3: memref<64x128xf32, #tpu.memory_space<hbm>>, %arg4: memref<32x16xf32, #tpu.memory_space<hbm>>, %arg5: memref<2x128xi32, #tpu.memory_space<vmem>>, %arg6: memref<2x128xf32, #tpu.memory_space<vmem>>, %arg7: memref<16xf32, #tpu.memory_space<vmem>>) attributes {dimension_semantics = [#tpu.dimension_semantics<core_parallel>, #tpu.dimension_semantics<subcore_parallel>], iteration_bounds = array<i64: 2, 16>, scalar_prefetch = 0 : i64, scratch_operands = 3 : i64, tpu.core_type = #tpu.core_type<sc_vector_subcore>, window_params = [{transform_indices = #map}, {transform_indices = #map}, {transform_indices = #map}]} {
    %mul3A = arith.constant 2 : i32
    %mul3A_0 = arith.muli %arg1, %mul3A : i32
    %add3A = arith.addi %mul3A_0, %arg0 : i32
    %mul3A_1 = arith.constant 2 : i32
    %mul3A_2 = arith.muli %add3A, %mul3A_1 : i32
    "tpu.region"() ({
      %run_scoped3A = tpu.sem_alloc : memref<!tpu.dma_semaphore, #tpu.memory_space<semaphore_mem>>
      %dma_start3A = arith.constant 0 : i32
      %dma_start3A_275 = tpu.memref_slice %arg2[%mul3A_2, %dma_start3A] : memref<64x128xi32, #tpu.memory_space<hbm>> -> memref<2x128xi32, #tpu.memory_space<hbm>>
      %dma_start3A_276 = arith.constant 0 : i32
      %dma_start3A_277 = tpu.memref_slice %arg2[%mul3A_2, %dma_start3A_276] : memref<64x128xi32, #tpu.memory_space<hbm>> -> memref<2x128xi32, #tpu.memory_space<hbm>>
      tpu.enqueue_dma source(%dma_start3A_277 : memref<2x128xi32, #tpu.memory_space<hbm>>) target(%arg5 : memref<2x128xi32, #tpu.memory_space<vmem>>) target_semaphore(%run_scoped3A : memref<!tpu.dma_semaphore, #tpu.memory_space<semaphore_mem>>)
      %dma_wait3A = arith.constant 0 : i32
      %dma_wait3A_278 = tpu.memref_slice %arg2[%mul3A_2, %dma_wait3A] : memref<64x128xi32, #tpu.memory_space<hbm>> -> memref<2x128xi32, #tpu.memory_space<hbm>>
      %dma_wait3A_279 = arith.constant 0 : i32
      %dma_wait3A_280 = tpu.memref_slice %arg2[%mul3A_2, %dma_wait3A_279] : memref<64x128xi32, #tpu.memory_space<hbm>> -> memref<2x128xi32, #tpu.memory_space<hbm>>
      tpu.wait_dma2 semaphore(%run_scoped3A : memref<!tpu.dma_semaphore, #tpu.memory_space<semaphore_mem>>) src(%dma_wait3A_280 : memref<2x128xi32, #tpu.memory_space<hbm>>) dst(%arg5 : memref<2x128xi32, #tpu.memory_space<vmem>>)
      tpu.yield
    }) : () -> ()
    "tpu.region"() ({
      %run_scoped3A = tpu.sem_alloc : memref<!tpu.dma_semaphore, #tpu.memory_space<semaphore_mem>>
      %dma_start3A = arith.constant 0 : i32
      %dma_start3A_275 = tpu.memref_slice %arg3[%mul3A_2, %dma_start3A] : memref<64x128xf32, #tpu.memory_space<hbm>> -> memref<2x128xf32, #tpu.memory_space<hbm>>
      %dma_start3A_276 = arith.constant 0 : i32
      %dma_start3A_277 = tpu.memref_slice %arg3[%mul3A_2, %dma_start3A_276] : memref<64x128xf32, #tpu.memory_space<hbm>> -> memref<2x128xf32, #tpu.memory_space<hbm>>
      tpu.enqueue_dma source(%dma_start3A_277 : memref<2x128xf32, #tpu.memory_space<hbm>>) target(%arg6 : memref<2x128xf32, #tpu.memory_space<vmem>>) target_semaphore(%run_scoped3A : memref<!tpu.dma_semaphore, #tpu.memory_space<semaphore_mem>>)
      %dma_wait3A = arith.constant 0 : i32
      %dma_wait3A_278 = tpu.memref_slice %arg3[%mul3A_2, %dma_wait3A] : memref<64x128xf32, #tpu.memory_space<hbm>> -> memref<2x128xf32, #tpu.memory_space<hbm>>
      %dma_wait3A_279 = arith.constant 0 : i32
      %dma_wait3A_280 = tpu.memref_slice %arg3[%mul3A_2, %dma_wait3A_279] : memref<64x128xf32, #tpu.memory_space<hbm>> -> memref<2x128xf32, #tpu.memory_space<hbm>>
      tpu.wait_dma2 semaphore(%run_scoped3A : memref<!tpu.dma_semaphore, #tpu.memory_space<semaphore_mem>>) src(%dma_wait3A_280 : memref<2x128xf32, #tpu.memory_space<hbm>>) dst(%arg6 : memref<2x128xf32, #tpu.memory_space<vmem>>)
      tpu.yield
    }) : () -> ()
    %broadcast_in_dim3A = arith.constant 0.000000e+00 : f32
    %broadcast_in_dim3A_3 = vector.broadcast %broadcast_in_dim3A : f32 to vector<16xf32>
    %get3A = arith.constant 0 : i32
    %get3A_4 = arith.index_cast %get3A : i32 to index
    %get3A_5 = arith.constant 0 : index
    %get3A_6 = tpu.vector_load %arg5[%get3A_4, %get3A_5] {strides = array<i32>} : memref<2x128xi32, #tpu.memory_space<vmem>>, vector<1x16xi32>,
    %get3A_7 = vector.shape_cast %get3A_6 : vector<1x16xi32> to vector<16xi32>
    %get3A_8 = arith.constant 0 : i32
    %get3A_9 = arith.index_cast %get3A_8 : i32 to index
    %get3A_10 = arith.constant 0 : index
    %get3A_11 = tpu.vector_load %arg6[%get3A_9, %get3A_10] {strides = array<i32>} : memref<2x128xf32, #tpu.memory_space<vmem>>, vector<1x16xf32>,
    %get3A_12 = vector.shape_cast %get3A_11 : vector<1x16xf32> to vector<16xf32>
    %eq3A = arith.constant 1 : i32
    %eq3A_13 = vector.broadcast %eq3A : i32 to vector<16xi32>
    %eq3A_14 = arith.cmpi eq, %get3A_7, %eq3A_13 : vector<16xi32>
    %jit3A = arith.constant 0.000000e+00 : f32
    %broadcast_in_dim3A_15 = vector.broadcast %jit3A : f32 to vector<16xf32>
    %select_n3A = arith.select %eq3A_14, %get3A_12, %broadcast_in_dim3A_15 : vector<16xi1>, vector<16xf32>
    %add3A_16 = arith.addf %broadcast_in_dim3A_3, %select_n3A : vector<16xf32>
    %get3A_17 = arith.constant 0 : i32
    %get3A_18 = arith.index_cast %get3A_17 : i32 to index
    %get3A_19 = arith.constant 16 : index
    %get3A_20 = tpu.vector_load %arg5[%get3A_18, %get3A_19] {strides = array<i32>} : memref<2x128xi32, #tpu.memory_space<vmem>>, vector<1x16xi32>,
    %get3A_21 = vector.shape_cast %get3A_20 : vector<1x16xi32> to vector<16xi32>
    %get3A_22 = arith.constant 0 : i32
    %get3A_23 = arith.index_cast %get3A_22 : i32 to index
    %get3A_24 = arith.constant 16 : index
    %get3A_25 = tpu.vector_load %arg6[%get3A_23, %get3A_24] {strides = array<i32>} : memref<2x128xf32, #tpu.memory_space<vmem>>, vector<1x16xf32>,
    %get3A_26 = vector.shape_cast %get3A_25 : vector<1x16xf32> to vector<16xf32>
    %eq3A_27 = arith.constant 1 : i32
    %eq3A_28 = vector.broadcast %eq3A_27 : i32 to vector<16xi32>
    %eq3A_29 = arith.cmpi eq, %get3A_21, %eq3A_28 : vector<16xi32>
    %jit3A_30 = arith.constant 0.000000e+00 : f32
    %broadcast_in_dim3A_31 = vector.broadcast %jit3A_30 : f32 to vector<16xf32>
    %select_n3A_32 = arith.select %eq3A_29, %get3A_26, %broadcast_in_dim3A_31 : vector<16xi1>, vector<16xf32>
    %add3A_33 = arith.addf %add3A_16, %select_n3A_32 : vector<16xf32>
    %get3A_34 = arith.constant 0 : i32
    %get3A_35 = arith.index_cast %get3A_34 : i32 to index
    %get3A_36 = arith.constant 32 : index
    %get3A_37 = tpu.vector_load %arg5[%get3A_35, %get3A_36] {strides = array<i32>} : memref<2x128xi32, #tpu.memory_space<vmem>>, vector<1x16xi32>,
    %get3A_38 = vector.shape_cast %get3A_37 : vector<1x16xi32> to vector<16xi32>
    %get3A_39 = arith.constant 0 : i32
    %get3A_40 = arith.index_cast %get3A_39 : i32 to index
    %get3A_41 = arith.constant 32 : index
    %get3A_42 = tpu.vector_load %arg6[%get3A_40, %get3A_41] {strides = array<i32>} : memref<2x128xf32, #tpu.memory_space<vmem>>, vector<1x16xf32>,
    %get3A_43 = vector.shape_cast %get3A_42 : vector<1x16xf32> to vector<16xf32>
    %eq3A_44 = arith.constant 1 : i32
    %eq3A_45 = vector.broadcast %eq3A_44 : i32 to vector<16xi32>
    %eq3A_46 = arith.cmpi eq, %get3A_38, %eq3A_45 : vector<16xi32>
    %jit3A_47 = arith.constant 0.000000e+00 : f32
    %broadcast_in_dim3A_48 = vector.broadcast %jit3A_47 : f32 to vector<16xf32>
    %select_n3A_49 = arith.select %eq3A_46, %get3A_43, %broadcast_in_dim3A_48 : vector<16xi1>, vector<16xf32>
    %add3A_50 = arith.addf %add3A_33, %select_n3A_49 : vector<16xf32>
    %get3A_51 = arith.constant 0 : i32
    %get3A_52 = arith.index_cast %get3A_51 : i32 to index
    %get3A_53 = arith.constant 48 : index
    %get3A_54 = tpu.vector_load %arg5[%get3A_52, %get3A_53] {strides = array<i32>} : memref<2x128xi32, #tpu.memory_space<vmem>>, vector<1x16xi32>,
    %get3A_55 = vector.shape_cast %get3A_54 : vector<1x16xi32> to vector<16xi32>
    %get3A_56 = arith.constant 0 : i32
    %get3A_57 = arith.index_cast %get3A_56 : i32 to index
    %get3A_58 = arith.constant 48 : index
    %get3A_59 = tpu.vector_load %arg6[%get3A_57, %get3A_58] {strides = array<i32>} : memref<2x128xf32, #tpu.memory_space<vmem>>, vector<1x16xf32>,
    %get3A_60 = vector.shape_cast %get3A_59 : vector<1x16xf32> to vector<16xf32>
    %eq3A_61 = arith.constant 1 : i32
    %eq3A_62 = vector.broadcast %eq3A_61 : i32 to vector<16xi32>
    %eq3A_63 = arith.cmpi eq, %get3A_55, %eq3A_62 : vector<16xi32>
    %jit3A_64 = arith.constant 0.000000e+00 : f32
    %broadcast_in_dim3A_65 = vector.broadcast %jit3A_64 : f32 to vector<16xf32>
    %select_n3A_66 = arith.select %eq3A_63, %get3A_60, %broadcast_in_dim3A_65 : vector<16xi1>, vector<16xf32>
    %add3A_67 = arith.addf %add3A_50, %select_n3A_66 : vector<16xf32>
    %get3A_68 = arith.constant 0 : i32
    %get3A_69 = arith.index_cast %get3A_68 : i32 to index
    %get3A_70 = arith.constant 64 : index
    %get3A_71 = tpu.vector_load %arg5[%get3A_69, %get3A_70] {strides = array<i32>} : memref<2x128xi32, #tpu.memory_space<vmem>>, vector<1x16xi32>,
    %get3A_72 = vector.shape_cast %get3A_71 : vector<1x16xi32> to vector<16xi32>
    %get3A_73 = arith.constant 0 : i32
    %get3A_74 = arith.index_cast %get3A_73 : i32 to index
    %get3A_75 = arith.constant 64 : index
    %get3A_76 = tpu.vector_load %arg6[%get3A_74, %get3A_75] {strides = array<i32>} : memref<2x128xf32, #tpu.memory_space<vmem>>, vector<1x16xf32>,
    %get3A_77 = vector.shape_cast %get3A_76 : vector<1x16xf32> to vector<16xf32>
    %eq3A_78 = arith.constant 1 : i32
    %eq3A_79 = vector.broadcast %eq3A_78 : i32 to vector<16xi32>
    %eq3A_80 = arith.cmpi eq, %get3A_72, %eq3A_79 : vector<16xi32>
    %jit3A_81 = arith.constant 0.000000e+00 : f32
    %broadcast_in_dim3A_82 = vector.broadcast %jit3A_81 : f32 to vector<16xf32>
    %select_n3A_83 = arith.select %eq3A_80, %get3A_77, %broadcast_in_dim3A_82 : vector<16xi1>, vector<16xf32>
    %add3A_84 = arith.addf %add3A_67, %select_n3A_83 : vector<16xf32>
    %get3A_85 = arith.constant 0 : i32
    %get3A_86 = arith.index_cast %get3A_85 : i32 to index
    %get3A_87 = arith.constant 80 : index
    %get3A_88 = tpu.vector_load %arg5[%get3A_86, %get3A_87] {strides = array<i32>} : memref<2x128xi32, #tpu.memory_space<vmem>>, vector<1x16xi32>,
    %get3A_89 = vector.shape_cast %get3A_88 : vector<1x16xi32> to vector<16xi32>
    %get3A_90 = arith.constant 0 : i32
    %get3A_91 = arith.index_cast %get3A_90 : i32 to index
    %get3A_92 = arith.constant 80 : index
    %get3A_93 = tpu.vector_load %arg6[%get3A_91, %get3A_92] {strides = array<i32>} : memref<2x128xf32, #tpu.memory_space<vmem>>, vector<1x16xf32>,
    %get3A_94 = vector.shape_cast %get3A_93 : vector<1x16xf32> to vector<16xf32>
    %eq3A_95 = arith.constant 1 : i32
    %eq3A_96 = vector.broadcast %eq3A_95 : i32 to vector<16xi32>
    %eq3A_97 = arith.cmpi eq, %get3A_89, %eq3A_96 : vector<16xi32>
    %jit3A_98 = arith.constant 0.000000e+00 : f32
    %broadcast_in_dim3A_99 = vector.broadcast %jit3A_98 : f32 to vector<16xf32>
    %select_n3A_100 = arith.select %eq3A_97, %get3A_94, %broadcast_in_dim3A_99 : vector<16xi1>, vector<16xf32>
    %add3A_101 = arith.addf %add3A_84, %select_n3A_100 : vector<16xf32>
    %get3A_102 = arith.constant 0 : i32
    %get3A_103 = arith.index_cast %get3A_102 : i32 to index
    %get3A_104 = arith.constant 96 : index
    %get3A_105 = tpu.vector_load %arg5[%get3A_103, %get3A_104] {strides = array<i32>} : memref<2x128xi32, #tpu.memory_space<vmem>>, vector<1x16xi32>,
    %get3A_106 = vector.shape_cast %get3A_105 : vector<1x16xi32> to vector<16xi32>
    %get3A_107 = arith.constant 0 : i32
    %get3A_108 = arith.index_cast %get3A_107 : i32 to index
    %get3A_109 = arith.constant 96 : index
    %get3A_110 = tpu.vector_load %arg6[%get3A_108, %get3A_109] {strides = array<i32>} : memref<2x128xf32, #tpu.memory_space<vmem>>, vector<1x16xf32>,
    %get3A_111 = vector.shape_cast %get3A_110 : vector<1x16xf32> to vector<16xf32>
    %eq3A_112 = arith.constant 1 : i32
    %eq3A_113 = vector.broadcast %eq3A_112 : i32 to vector<16xi32>
    %eq3A_114 = arith.cmpi eq, %get3A_106, %eq3A_113 : vector<16xi32>
    %jit3A_115 = arith.constant 0.000000e+00 : f32
    %broadcast_in_dim3A_116 = vector.broadcast %jit3A_115 : f32 to vector<16xf32>
    %select_n3A_117 = arith.select %eq3A_114, %get3A_111, %broadcast_in_dim3A_116 : vector<16xi1>, vector<16xf32>
    %add3A_118 = arith.addf %add3A_101, %select_n3A_117 : vector<16xf32>
    %get3A_119 = arith.constant 0 : i32
    %get3A_120 = arith.index_cast %get3A_119 : i32 to index
    %get3A_121 = arith.constant 112 : index
    %get3A_122 = tpu.vector_load %arg5[%get3A_120, %get3A_121] {strides = array<i32>} : memref<2x128xi32, #tpu.memory_space<vmem>>, vector<1x16xi32>,
    %get3A_123 = vector.shape_cast %get3A_122 : vector<1x16xi32> to vector<16xi32>
    %get3A_124 = arith.constant 0 : i32
    %get3A_125 = arith.index_cast %get3A_124 : i32 to index
    %get3A_126 = arith.constant 112 : index
    %get3A_127 = tpu.vector_load %arg6[%get3A_125, %get3A_126] {strides = array<i32>} : memref<2x128xf32, #tpu.memory_space<vmem>>, vector<1x16xf32>,
    %get3A_128 = vector.shape_cast %get3A_127 : vector<1x16xf32> to vector<16xf32>
    %eq3A_129 = arith.constant 1 : i32
    %eq3A_130 = vector.broadcast %eq3A_129 : i32 to vector<16xi32>
    %eq3A_131 = arith.cmpi eq, %get3A_123, %eq3A_130 : vector<16xi32>
    %jit3A_132 = arith.constant 0.000000e+00 : f32
    %broadcast_in_dim3A_133 = vector.broadcast %jit3A_132 : f32 to vector<16xf32>
    %select_n3A_134 = arith.select %eq3A_131, %get3A_128, %broadcast_in_dim3A_133 : vector<16xi1>, vector<16xf32>
    %add3A_135 = arith.addf %add3A_118, %select_n3A_134 : vector<16xf32>
    %get3A_136 = arith.constant 1 : i32
    %get3A_137 = arith.index_cast %get3A_136 : i32 to index
    %get3A_138 = arith.constant 0 : index
    %get3A_139 = tpu.vector_load %arg5[%get3A_137, %get3A_138] {strides = array<i32>} : memref<2x128xi32, #tpu.memory_space<vmem>>, vector<1x16xi32>,
    %get3A_140 = vector.shape_cast %get3A_139 : vector<1x16xi32> to vector<16xi32>
    %get3A_141 = arith.constant 1 : i32
    %get3A_142 = arith.index_cast %get3A_141 : i32 to index
    %get3A_143 = arith.constant 0 : index
    %get3A_144 = tpu.vector_load %arg6[%get3A_142, %get3A_143] {strides = array<i32>} : memref<2x128xf32, #tpu.memory_space<vmem>>, vector<1x16xf32>,
    %get3A_145 = vector.shape_cast %get3A_144 : vector<1x16xf32> to vector<16xf32>
    %eq3A_146 = arith.constant 1 : i32
    %eq3A_147 = vector.broadcast %eq3A_146 : i32 to vector<16xi32>
    %eq3A_148 = arith.cmpi eq, %get3A_140, %eq3A_147 : vector<16xi32>
    %jit3A_149 = arith.constant 0.000000e+00 : f32
    %broadcast_in_dim3A_150 = vector.broadcast %jit3A_149 : f32 to vector<16xf32>
    %select_n3A_151 = arith.select %eq3A_148, %get3A_145, %broadcast_in_dim3A_150 : vector<16xi1>, vector<16xf32>
    %add3A_152 = arith.addf %add3A_135, %select_n3A_151 : vector<16xf32>
    %get3A_153 = arith.constant 1 : i32
    %get3A_154 = arith.index_cast %get3A_153 : i32 to index
    %get3A_155 = arith.constant 16 : index
    %get3A_156 = tpu.vector_load %arg5[%get3A_154, %get3A_155] {strides = array<i32>} : memref<2x128xi32, #tpu.memory_space<vmem>>, vector<1x16xi32>,
    %get3A_157 = vector.shape_cast %get3A_156 : vector<1x16xi32> to vector<16xi32>
    %get3A_158 = arith.constant 1 : i32
    %get3A_159 = arith.index_cast %get3A_158 : i32 to index
    %get3A_160 = arith.constant 16 : index
    %get3A_161 = tpu.vector_load %arg6[%get3A_159, %get3A_160] {strides = array<i32>} : memref<2x128xf32, #tpu.memory_space<vmem>>, vector<1x16xf32>,
    %get3A_162 = vector.shape_cast %get3A_161 : vector<1x16xf32> to vector<16xf32>
    %eq3A_163 = arith.constant 1 : i32
    %eq3A_164 = vector.broadcast %eq3A_163 : i32 to vector<16xi32>
    %eq3A_165 = arith.cmpi eq, %get3A_157, %eq3A_164 : vector<16xi32>
    %jit3A_166 = arith.constant 0.000000e+00 : f32
    %broadcast_in_dim3A_167 = vector.broadcast %jit3A_166 : f32 to vector<16xf32>
    %select_n3A_168 = arith.select %eq3A_165, %get3A_162, %broadcast_in_dim3A_167 : vector<16xi1>, vector<16xf32>
    %add3A_169 = arith.addf %add3A_152, %select_n3A_168 : vector<16xf32>
    %get3A_170 = arith.constant 1 : i32
    %get3A_171 = arith.index_cast %get3A_170 : i32 to index
    %get3A_172 = arith.constant 32 : index
    %get3A_173 = tpu.vector_load %arg5[%get3A_171, %get3A_172] {strides = array<i32>} : memref<2x128xi32, #tpu.memory_space<vmem>>, vector<1x16xi32>,
    %get3A_174 = vector.shape_cast %get3A_173 : vector<1x16xi32> to vector<16xi32>
    %get3A_175 = arith.constant 1 : i32
    %get3A_176 = arith.index_cast %get3A_175 : i32 to index
    %get3A_177 = arith.constant 32 : index
    %get3A_178 = tpu.vector_load %arg6[%get3A_176, %get3A_177] {strides = array<i32>} : memref<2x128xf32, #tpu.memory_space<vmem>>, vector<1x16xf32>,
    %get3A_179 = vector.shape_cast %get3A_178 : vector<1x16xf32> to vector<16xf32>
    %eq3A_180 = arith.constant 1 : i32
    %eq3A_181 = vector.broadcast %eq3A_180 : i32 to vector<16xi32>
    %eq3A_182 = arith.cmpi eq, %get3A_174, %eq3A_181 : vector<16xi32>
    %jit3A_183 = arith.constant 0.000000e+00 : f32
    %broadcast_in_dim3A_184 = vector.broadcast %jit3A_183 : f32 to vector<16xf32>
    %select_n3A_185 = arith.select %eq3A_182, %get3A_179, %broadcast_in_dim3A_184 : vector<16xi1>, vector<16xf32>
    %add3A_186 = arith.addf %add3A_169, %select_n3A_185 : vector<16xf32>
    %get3A_187 = arith.constant 1 : i32
    %get3A_188 = arith.index_cast %get3A_187 : i32 to index
    %get3A_189 = arith.constant 48 : index
    %get3A_190 = tpu.vector_load %arg5[%get3A_188, %get3A_189] {strides = array<i32>} : memref<2x128xi32, #tpu.memory_space<vmem>>, vector<1x16xi32>,
    %get3A_191 = vector.shape_cast %get3A_190 : vector<1x16xi32> to vector<16xi32>
    %get3A_192 = arith.constant 1 : i32
    %get3A_193 = arith.index_cast %get3A_192 : i32 to index
    %get3A_194 = arith.constant 48 : index
    %get3A_195 = tpu.vector_load %arg6[%get3A_193, %get3A_194] {strides = array<i32>} : memref<2x128xf32, #tpu.memory_space<vmem>>, vector<1x16xf32>,
    %get3A_196 = vector.shape_cast %get3A_195 : vector<1x16xf32> to vector<16xf32>
    %eq3A_197 = arith.constant 1 : i32
    %eq3A_198 = vector.broadcast %eq3A_197 : i32 to vector<16xi32>
    %eq3A_199 = arith.cmpi eq, %get3A_191, %eq3A_198 : vector<16xi32>
    %jit3A_200 = arith.constant 0.000000e+00 : f32
    %broadcast_in_dim3A_201 = vector.broadcast %jit3A_200 : f32 to vector<16xf32>
    %select_n3A_202 = arith.select %eq3A_199, %get3A_196, %broadcast_in_dim3A_201 : vector<16xi1>, vector<16xf32>
    %add3A_203 = arith.addf %add3A_186, %select_n3A_202 : vector<16xf32>
    %get3A_204 = arith.constant 1 : i32
    %get3A_205 = arith.index_cast %get3A_204 : i32 to index
    %get3A_206 = arith.constant 64 : index
    %get3A_207 = tpu.vector_load %arg5[%get3A_205, %get3A_206] {strides = array<i32>} : memref<2x128xi32, #tpu.memory_space<vmem>>, vector<1x16xi32>,
    %get3A_208 = vector.shape_cast %get3A_207 : vector<1x16xi32> to vector<16xi32>
    %get3A_209 = arith.constant 1 : i32
    %get3A_210 = arith.index_cast %get3A_209 : i32 to index
    %get3A_211 = arith.constant 64 : index
    %get3A_212 = tpu.vector_load %arg6[%get3A_210, %get3A_211] {strides = array<i32>} : memref<2x128xf32, #tpu.memory_space<vmem>>, vector<1x16xf32>,
    %get3A_213 = vector.shape_cast %get3A_212 : vector<1x16xf32> to vector<16xf32>
    %eq3A_214 = arith.constant 1 : i32
    %eq3A_215 = vector.broadcast %eq3A_214 : i32 to vector<16xi32>
    %eq3A_216 = arith.cmpi eq, %get3A_208, %eq3A_215 : vector<16xi32>
    %jit3A_217 = arith.constant 0.000000e+00 : f32
    %broadcast_in_dim3A_218 = vector.broadcast %jit3A_217 : f32 to vector<16xf32>
    %select_n3A_219 = arith.select %eq3A_216, %get3A_213, %broadcast_in_dim3A_218 : vector<16xi1>, vector<16xf32>
    %add3A_220 = arith.addf %add3A_203, %select_n3A_219 : vector<16xf32>
    %get3A_221 = arith.constant 1 : i32
    %get3A_222 = arith.index_cast %get3A_221 : i32 to index
    %get3A_223 = arith.constant 80 : index
    %get3A_224 = tpu.vector_load %arg5[%get3A_222, %get3A_223] {strides = array<i32>} : memref<2x128xi32, #tpu.memory_space<vmem>>, vector<1x16xi32>,
    %get3A_225 = vector.shape_cast %get3A_224 : vector<1x16xi32> to vector<16xi32>
    %get3A_226 = arith.constant 1 : i32
    %get3A_227 = arith.index_cast %get3A_226 : i32 to index
    %get3A_228 = arith.constant 80 : index
    %get3A_229 = tpu.vector_load %arg6[%get3A_227, %get3A_228] {strides = array<i32>} : memref<2x128xf32, #tpu.memory_space<vmem>>, vector<1x16xf32>,
    %get3A_230 = vector.shape_cast %get3A_229 : vector<1x16xf32> to vector<16xf32>
    %eq3A_231 = arith.constant 1 : i32
    %eq3A_232 = vector.broadcast %eq3A_231 : i32 to vector<16xi32>
    %eq3A_233 = arith.cmpi eq, %get3A_225, %eq3A_232 : vector<16xi32>
    %jit3A_234 = arith.constant 0.000000e+00 : f32
    %broadcast_in_dim3A_235 = vector.broadcast %jit3A_234 : f32 to vector<16xf32>
    %select_n3A_236 = arith.select %eq3A_233, %get3A_230, %broadcast_in_dim3A_235 : vector<16xi1>, vector<16xf32>
    %add3A_237 = arith.addf %add3A_220, %select_n3A_236 : vector<16xf32>
    %get3A_238 = arith.constant 1 : i32
    %get3A_239 = arith.index_cast %get3A_238 : i32 to index
    %get3A_240 = arith.constant 96 : index
    %get3A_241 = tpu.vector_load %arg5[%get3A_239, %get3A_240] {strides = array<i32>} : memref<2x128xi32, #tpu.memory_space<vmem>>, vector<1x16xi32>,
    %get3A_242 = vector.shape_cast %get3A_241 : vector<1x16xi32> to vector<16xi32>
    %get3A_243 = arith.constant 1 : i32
    %get3A_244 = arith.index_cast %get3A_243 : i32 to index
    %get3A_245 = arith.constant 96 : index
    %get3A_246 = tpu.vector_load %arg6[%get3A_244, %get3A_245] {strides = array<i32>} : memref<2x128xf32, #tpu.memory_space<vmem>>, vector<1x16xf32>,
    %get3A_247 = vector.shape_cast %get3A_246 : vector<1x16xf32> to vector<16xf32>
    %eq3A_248 = arith.constant 1 : i32
    %eq3A_249 = vector.broadcast %eq3A_248 : i32 to vector<16xi32>
    %eq3A_250 = arith.cmpi eq, %get3A_242, %eq3A_249 : vector<16xi32>
    %jit3A_251 = arith.constant 0.000000e+00 : f32
    %broadcast_in_dim3A_252 = vector.broadcast %jit3A_251 : f32 to vector<16xf32>
    %select_n3A_253 = arith.select %eq3A_250, %get3A_247, %broadcast_in_dim3A_252 : vector<16xi1>, vector<16xf32>
    %add3A_254 = arith.addf %add3A_237, %select_n3A_253 : vector<16xf32>
    %get3A_255 = arith.constant 1 : i32
    %get3A_256 = arith.index_cast %get3A_255 : i32 to index
    %get3A_257 = arith.constant 112 : index
    %get3A_258 = tpu.vector_load %arg5[%get3A_256, %get3A_257] {strides = array<i32>} : memref<2x128xi32, #tpu.memory_space<vmem>>, vector<1x16xi32>,
    %get3A_259 = vector.shape_cast %get3A_258 : vector<1x16xi32> to vector<16xi32>
    %get3A_260 = arith.constant 1 : i32
    %get3A_261 = arith.index_cast %get3A_260 : i32 to index
    %get3A_262 = arith.constant 112 : index
    %get3A_263 = tpu.vector_load %arg6[%get3A_261, %get3A_262] {strides = array<i32>} : memref<2x128xf32, #tpu.memory_space<vmem>>, vector<1x16xf32>,
    %get3A_264 = vector.shape_cast %get3A_263 : vector<1x16xf32> to vector<16xf32>
    %eq3A_265 = arith.constant 1 : i32
    %eq3A_266 = vector.broadcast %eq3A_265 : i32 to vector<16xi32>
    %eq3A_267 = arith.cmpi eq, %get3A_259, %eq3A_266 : vector<16xi32>
    %jit3A_268 = arith.constant 0.000000e+00 : f32
    %broadcast_in_dim3A_269 = vector.broadcast %jit3A_268 : f32 to vector<16xf32>
    %select_n3A_270 = arith.select %eq3A_267, %get3A_264, %broadcast_in_dim3A_269 : vector<16xi1>, vector<16xf32>
    %add3A_271 = arith.addf %add3A_254, %select_n3A_270 : vector<16xf32>
    %swap3A = arith.constant 0 : index
    %swap3A_272 = tpu.vector_load %arg7[%swap3A] {strides = array<i32>} : memref<16xf32, #tpu.memory_space<vmem>>, vector<16xf32>,
    %swap3A_273 = vector.shape_cast %swap3A_272 : vector<16xf32> to vector<16xf32>
    %swap3A_274 = vector.shape_cast %add3A_271 : vector<16xf32> to vector<16xf32>
    tpu.vector_store %arg7[%swap3A], %swap3A_274 {strides = array<i32>} : memref<16xf32, #tpu.memory_space<vmem>>, vector<16xf32>,
    "tpu.region"() ({
      %run_scoped3A = tpu.sem_alloc : memref<!tpu.dma_semaphore, #tpu.memory_space<semaphore_mem>>
      %dma_start3A = arith.constant 0 : i32
      %dma_start3A_275 = tpu.memref_slice %arg4[%add3A, %dma_start3A] : memref<32x16xf32, #tpu.memory_space<hbm>> -> memref<1x16xf32, #tpu.memory_space<hbm>>
      %dma_start3A_276 = tpu.memref_squeeze %dma_start3A_275 : memref<1x16xf32, #tpu.memory_space<hbm>> -> memref<16xf32, #tpu.memory_space<hbm>>
      %dma_start3A_277 = arith.constant 0 : i32
      %dma_start3A_278 = tpu.memref_slice %arg4[%add3A, %dma_start3A_277] : memref<32x16xf32, #tpu.memory_space<hbm>> -> memref<1x16xf32, #tpu.memory_space<hbm>>
      %dma_start3A_279 = tpu.memref_squeeze %dma_start3A_278 : memref<1x16xf32, #tpu.memory_space<hbm>> -> memref<16xf32, #tpu.memory_space<hbm>>
      tpu.enqueue_dma source(%arg7 : memref<16xf32, #tpu.memory_space<vmem>>) target(%dma_start3A_279 : memref<16xf32, #tpu.memory_space<hbm>>) target_semaphore(%run_scoped3A : memref<!tpu.dma_semaphore, #tpu.memory_space<semaphore_mem>>)
      %dma_wait3A = arith.constant 0 : i32
      %dma_wait3A_280 = tpu.memref_slice %arg4[%add3A, %dma_wait3A] : memref<32x16xf32, #tpu.memory_space<hbm>> -> memref<1x16xf32, #tpu.memory_space<hbm>>
      %dma_wait3A_281 = tpu.memref_squeeze %dma_wait3A_280 : memref<1x16xf32, #tpu.memory_space<hbm>> -> memref<16xf32, #tpu.memory_space<hbm>>
      %dma_wait3A_282 = arith.constant 0 : i32
      %dma_wait3A_283 = tpu.memref_slice %arg4[%add3A, %dma_wait3A_282] : memref<32x16xf32, #tpu.memory_space<hbm>> -> memref<1x16xf32, #tpu.memory_space<hbm>>
      %dma_wait3A_284 = tpu.memref_squeeze %dma_wait3A_283 : memref<1x16xf32, #tpu.memory_space<hbm>> -> memref<16xf32, #tpu.memory_space<hbm>>
      tpu.wait_dma2 semaphore(%run_scoped3A : memref<!tpu.dma_semaphore, #tpu.memory_space<semaphore_mem>>) src(%arg7 : memref<16xf32, #tpu.memory_space<vmem>>) dst(%dma_wait3A_284 : memref<16xf32, #tpu.memory_space<hbm>>)
      tpu.yield
    }) : () -> ()
    return
  }
}

module attributes {stable_mosaic.version = 14 : i64} {
  func.func @_router_body(%arg0: i32, %arg1: memref<1024x2048xf32, #tpu.memory_space<vmem>>, %arg2: memref<16x2048xf32, #tpu.memory_space<vmem>>, %arg3: memref<16x1xf32, #tpu.memory_space<vmem>>, %arg4: memref<1024x16xf32, #tpu.memory_space<vmem>>, %arg5: memref<1x1xf32, #tpu.memory_space<smem>>, %arg6: memref<8x128xf32, #tpu.memory_space<vmem>>, %arg7: memref<1xf32, #tpu.memory_space<smem>>) attributes {dimension_semantics = [#tpu.dimension_semantics<arbitrary>], iteration_bounds = array<i64: 8>, scalar_prefetch = 0 : i64, scratch_operands = 1 : i64, tpu.core_type = #tpu.core_type<tc>, window_params = [{transform_indices = @transform_0, window_bounds = array<i64: 1024, 2048>}, {pipeline_mode = #tpu.pipeline_mode<synchronous>, transform_indices = @transform_1, window_bounds = array<i64: 16, 2048>}, {pipeline_mode = #tpu.pipeline_mode<synchronous>, transform_indices = @transform_2, window_bounds = array<i64: 16, 1>}, {transform_indices = @transform_3, window_bounds = array<i64: 1024, 16>}, {transform_indices = @transform_4, window_bounds = array<i64: 1, 1>}, {transform_indices = @transform_5, window_bounds = array<i64: 8, 128>}]} {
    %get3A = arith.constant 0 : index
    %get3A_0 = arith.constant 0 : index
    %get3A_1 = vector.load %arg2[%get3A, %get3A_0] : memref<16x2048xf32, #tpu.memory_space<vmem>>, vector<16x2048xf32>
    %get3A_2 = arith.constant 0 : index
    %get3A_3 = arith.constant 0 : index
    %get3A_4 = vector.load %arg1[%get3A_2, %get3A_3] : memref<1024x2048xf32, #tpu.memory_space<vmem>>, vector<1024x2048xf32>
    %dot_general3A = arith.constant dense<0.000000e+00> : vector<16x1024xf32>
    %dot_general3A_5 = tpu.matmul %get3A_1, %get3A_4, %dot_general3A {dimension_numbers = #tpu.dot_dimension_numbers<[1], [1], [0], [0], [0, 0, 1, 0], [], []>, transpose_lhs_hint = false} : vector<16x2048xf32>, vector<1024x2048xf32>, vector<16x1024xf32> -> vector<16x1024xf32>
    %get3A_6 = arith.constant 0 : index
    %get3A_7 = arith.constant 0 : index
    %get3A_8 = vector.load %arg3[%get3A_6, %get3A_7] : memref<16x1xf32, #tpu.memory_space<vmem>>, vector<16x1xf32>
    %add3A = vector.broadcast %get3A_8 : vector<16x1xf32> to vector<16x1024xf32>
    %add3A_9 = arith.addf %dot_general3A_5, %add3A : vector<16x1024xf32>
    %reduce_max3A = arith.constant dense<0xFF800000> : vector<1024xf32>
    %reduce_max3A_10 = vector.multi_reduction <maximumf>, %add3A_9, %reduce_max3A [0] : vector<16x1024xf32> to vector<1024xf32>
    %broadcast_in_dim3A = vector.shape_cast %reduce_max3A_10 : vector<1024xf32> to vector<1x1024xf32>
    %sub3A = vector.broadcast %broadcast_in_dim3A : vector<1x1024xf32> to vector<16x1024xf32>
    %sub3A_11 = arith.subf %add3A_9, %sub3A : vector<16x1024xf32>
    %exp3A = math.exp %sub3A_11 : vector<16x1024xf32>
    %reduce_sum3A = arith.constant dense<0.000000e+00> : vector<1024xf32>
    %reduce_sum3A_12 = vector.multi_reduction <add>, %exp3A, %reduce_sum3A [0] : vector<16x1024xf32> to vector<1024xf32>
    %broadcast_in_dim3A_13 = vector.shape_cast %reduce_sum3A_12 : vector<1024xf32> to vector<1x1024xf32>
    %div3A = vector.broadcast %broadcast_in_dim3A_13 : vector<1x1024xf32> to vector<16x1024xf32>
    %div3A_14 = arith.divf %exp3A, %div3A : vector<16x1024xf32>
    %transpose3A = tpu.transpose %div3A_14, [1, 0] : vector<16x1024xf32> -> vector<1024x16xf32>
    %swap3A = arith.constant 0 : index
    %swap3A_15 = arith.constant 0 : index
    %swap3A_16 = vector.load %arg4[%swap3A, %swap3A_15] : memref<1024x16xf32, #tpu.memory_space<vmem>>, vector<1024x16xf32>
    tpu.vector_store %arg4[%swap3A, %swap3A_15], %transpose3A {strides = array<i32>} : memref<1024x16xf32, #tpu.memory_space<vmem>>, vector<1024x16xf32>,
    %log3A = math.log %broadcast_in_dim3A_13 : vector<1x1024xf32>
    %add3A_17 = arith.addf %broadcast_in_dim3A, %log3A : vector<1x1024xf32>
    %slice3A = vector.extract_strided_slice %add3A_9 {offsets = [0, 0], sizes = [8, 1024], strides = [1, 1]} : vector<16x1024xf32> to vector<8x1024xf32>
    %reduce_sum3A_18 = arith.constant dense<0.000000e+00> : vector<1024xf32>
    %reduce_sum3A_19 = vector.multi_reduction <add>, %slice3A, %reduce_sum3A_18 [0] : vector<8x1024xf32> to vector<1024xf32>
    %broadcast_in_dim3A_20 = vector.shape_cast %reduce_sum3A_19 : vector<1024xf32> to vector<1x1024xf32>
    %slice3A_21 = vector.extract_strided_slice %add3A_9 {offsets = [8, 0], sizes = [8, 1024], strides = [1, 1]} : vector<16x1024xf32> to vector<8x1024xf32>
    %reduce_sum3A_22 = arith.constant dense<0.000000e+00> : vector<1024xf32>
    %reduce_sum3A_23 = vector.multi_reduction <add>, %slice3A_21, %reduce_sum3A_22 [0] : vector<8x1024xf32> to vector<1024xf32>
    %broadcast_in_dim3A_24 = vector.shape_cast %reduce_sum3A_23 : vector<1024xf32> to vector<1x1024xf32>
    %sub3A_25 = arith.subf %broadcast_in_dim3A_24, %broadcast_in_dim3A_20 : vector<1x1024xf32>
    %reshape3A = vector.shape_cast %sub3A_25 : vector<1x1024xf32> to vector<8x128xf32>
    %swap3A_26 = arith.constant 0 : index
    %swap3A_27 = arith.constant 0 : index
    %swap3A_28 = vector.load %arg6[%swap3A_26, %swap3A_27] : memref<8x128xf32, #tpu.memory_space<vmem>>, vector<8x128xf32>
    tpu.vector_store %arg6[%swap3A_26, %swap3A_27], %reshape3A {strides = array<i32>} : memref<8x128xf32, #tpu.memory_space<vmem>>, vector<8x128xf32>,
    %mul3A = arith.constant 1.250000e-01 : f32
    %mul3A_29 = vector.broadcast %mul3A : f32 to vector<1x1024xf32>
    %mul3A_30 = arith.mulf %mul3A_29, %broadcast_in_dim3A_20 : vector<1x1024xf32>
    %sub3A_31 = arith.subf %add3A_17, %mul3A_30 : vector<1x1024xf32>
    %reduce_sum3A_32 = vector.shape_cast %sub3A_31 : vector<1x1024xf32> to vector<1x1x1024xf32>
    %reduce_sum3A_33 = arith.constant dense<0.000000e+00> : vector<1xf32>
    %reduce_sum3A_34 = vector.multi_reduction <add>, %reduce_sum3A_32, %reduce_sum3A_33 [1, 2] : vector<1x1x1024xf32> to vector<1xf32>
    %reduce_sum3A_35 = vector.shape_cast %reduce_sum3A_34 : vector<1xf32> to vector<1x1x1xf32>
    %reduce_sum3A_36 = vector.extract %reduce_sum3A_35[0, 0, 0] : f32 from vector<1x1x1xf32>
    %eq3A = arith.constant 0 : i32
    %eq3A_37 = arith.cmpi eq, %arg0, %eq3A : i32
    %convert_element_type3A = arith.extui %eq3A_37 : i1 to i32
    %cond3A = arith.constant 0 : i32
    %cond3A_38 = arith.cmpi ne, %convert_element_type3A, %cond3A : i32
    scf.if %cond3A_38 {
      %swap3A_49 = arith.constant 0.000000e+00 : f32
      %swap3A_50 = arith.constant 0 : index
      %swap3A_51 = memref.load %arg7[%swap3A_50] : memref<1xf32, #tpu.memory_space<smem>>
      memref.store %swap3A_49, %arg7[%swap3A_50] : memref<1xf32, #tpu.memory_space<smem>>
    } else {
    }
    %get3A_39 = arith.constant 0 : index
    %get3A_40 = memref.load %arg7[%get3A_39] : memref<1xf32, #tpu.memory_space<smem>>
    %add3A_41 = arith.addf %get3A_40, %reduce_sum3A_36 : f32
    %swap3A_42 = arith.constant 0 : index
    %swap3A_43 = memref.load %arg7[%swap3A_42] : memref<1xf32, #tpu.memory_space<smem>>
    memref.store %add3A_41, %arg7[%swap3A_42] : memref<1xf32, #tpu.memory_space<smem>>
    %eq3A_44 = arith.constant 7 : i32
    %eq3A_45 = arith.cmpi eq, %arg0, %eq3A_44 : i32
    %convert_element_type3A_46 = arith.extui %eq3A_45 : i1 to i32
    %cond3A_47 = arith.constant 0 : i32
    %cond3A_48 = arith.cmpi ne, %convert_element_type3A_46, %cond3A_47 : i32
    scf.if %cond3A_48 {
      %get3A_49 = arith.constant 0 : index
      %get3A_50 = memref.load %arg7[%get3A_49] : memref<1xf32, #tpu.memory_space<smem>>
      %swap3A_51 = arith.constant 0 : index
      %swap3A_52 = arith.constant 0 : index
      %swap3A_53 = memref.load %arg5[%swap3A_51, %swap3A_52] : memref<1x1xf32, #tpu.memory_space<smem>>
      memref.store %get3A_50, %arg5[%swap3A_51, %swap3A_52] : memref<1x1xf32, #tpu.memory_space<smem>>
    } else {
    }
    return
  }
  func.func @transform_0(%arg0: i32) -> (i32, i32) {
    %c0_i32 = arith.constant 0 : i32
    %c0_i32_0 = arith.constant 0 : i32
    return %arg0, %c0_i32 : i32, i32
  }
  func.func @transform_1(%arg0: i32) -> (i32, i32) {
    %c0_i32 = arith.constant 0 : i32
    %c0_i32_0 = arith.constant 0 : i32
    %c0_i32_1 = arith.constant 0 : i32
    return %c0_i32, %c0_i32_0 : i32, i32
  }
  func.func @transform_2(%arg0: i32) -> (i32, i32) {
    %c0_i32 = arith.constant 0 : i32
    %c0_i32_0 = arith.constant 0 : i32
    %c0_i32_1 = arith.constant 0 : i32
    return %c0_i32, %c0_i32_0 : i32, i32
  }
  func.func @transform_3(%arg0: i32) -> (i32, i32) {
    %c0_i32 = arith.constant 0 : i32
    %c0_i32_0 = arith.constant 0 : i32
    return %arg0, %c0_i32 : i32, i32
  }
  func.func @transform_4(%arg0: i32) -> (i32, i32) {
    %c0_i32 = arith.constant 0 : i32
    %c0_i32_0 = arith.constant 0 : i32
    %c0_i32_1 = arith.constant 0 : i32
    return %c0_i32, %c0_i32_0 : i32, i32
  }
  func.func @transform_5(%arg0: i32) -> (i32, i32) {
    %c0_i32 = arith.constant 0 : i32
    %c0_i32_0 = arith.constant 0 : i32
    return %arg0, %c0_i32 : i32, i32
  }
}

</mosaic_0001>

<sc_bundles>
// kernel: kernel.4.cloned.1.call-start
scs
__scs_entry_jumppad:
0x0: {  	(pc) =	sbr.rel $0x88, $3  }
0x1: {  	(tag) =	ssettag $0x0;
	lr =	simm.s32 $0x1  }
0x2: {  	[smem:$0x3F9D] =	sst lr;
	_ =	strace $0xD0000000  }
0x3: {  	_ = 	snop  }
0x4: {  	_ = 	snop  }
0x5: {  	_ = 	snop  }
0x6: {  	_ = 	snop  }
0x7: {  	_ = 	snop  }
__scs_overlays_trampoline_lowered:
0x8: {  	[smem:$0x3FAC] =	sst s0  }
0x9: {  	[smem:$0x3FAD] =	sst s1  }
0xa: {  	[smem:$0x3FAE] =	sst s2  }
0xb: {  	[smem:$0x3FAF] =	sst s3  }
0xc: {  	[smem:$0x3FB0] =	sst s4  }
0xd: {  	[smem:$0x3FB1] =	sst s5  }
0xe: {  	[smem:$0x3FB2] =	sst s6  }
0xf: {  	[smem:$0x3FB3] =	sst s7  }
0x10: {  	[smem:$0x3FB4] =	sst s8  }
0x11: {  	[smem:$0x3FB5] =	sst s9;
	s0 =	simm.s32 @!p0 $0x0  }
0x12: {  	s1 =	sld [smem:$0x3F9B];
	s0 =	simm.s32 @p0 $0x1  }
0x13: {  	[smem:$0x3FB6] =	sst s0;
	s0 =	simm.s32 @!p1 $0x0  }
0x14: {  	s2 =	sld [smem:$0x3F9A];
	s0 =	simm.s32 @p1 $0x1  }
0x15: {  	[smem:$0x3FB7] =	sst s0;
	s0 =	simm.s32 @!p2 $0x0  }
0x16: {  	s3 =	sld [smem:$0x3FDB];
	s0 =	simm.s32 @p2 $0x1  }
0x17: {  	s4 =	simm.s32 $0x1BF5;
	[smem:$0x3FB9] =	sst s0  }
0x18: {  	s0 =	sld [smem:$0x3F9C];
	_ =	swait.ge [sflag:s4], $0x0  }
0x19: {  	s7 =	sld [smem:$0x3F9D]  }
0x1a: {  	s8 =	sadd.s32 $0xFFFFE003, lr  }
0x1b: {  	s9 =	sadd.s32 $0xFFFFFEF7, lr;
	s5 =	simm.s32 $0xFFFFFFFF;
	p2 =	slt.u32 s8, $0xFFFFF086  }
0x1c: {  	p1 =	slt.u32 s9, $0xF7A;
	s5 =	simm.s32 @!p2 $0x0  }
0x1d: {  	s5 =	simm.s32 @p1 $0x1;
	p0 =	seq.s32 s7, s2  }
0x1e: {  	s7 =	smul.u32 @!p0 $0xF7A, s2;
	p2 =	seq.s32 @!p0 s5, $0x0  }
0x1f: {  	s9 =	smul.u32 $0xF7A, s1;
	s8 =	simm.s32 @!p0 $0x1BF5;
	p2 =	por !p2, p0  }
0x20: {  	[sflag:s8] =	ssyncset.s32 @!p0 $0xFFFFF086;
	s6 =	sadd.s32 @!p0 s3, s7;
	s7 =	simm.s32 @!p0 $0x108  }
0x21: {  	s3 =	sadd.s32 s3, s9;
	s6 =	sadd.s32 @!p0 $0x88, s6;
	s7 =	simm.s32 @p2 $0x1082  }
0x22: {  	[simem:s7], [sflag:s8] =	dma.local @!p0 [hbm:s6], $0xF7A  }
0x23: {  	s9 =	sor.u32 $0xD0000000, s2;
	s6 =	simm.s32 $0x108;
	_ =	swait.ge @!p0 [sflag:s8], $0x0  }
0x24: {  	s3 =	sadd.s32 $0x88, s3;
	s6 =	simm.s32 @!p1 $0x1082;
	[sflag:s4] =	ssyncset.s32 $0xFFFFF086  }
0x25: {  	[simem:s6], [sflag:s4] =	dma.local [hbm:s3], $0xF7A  }
0x26: {  	[smem:$0x3F9D] =	sst s1;
	(tag) =	ssettag s2;
	_ =	strace s9  }
0x27: {  	s1 =	sld [smem:$0x3FAD]  }
0x28: {  	s2 =	sld [smem:$0x3FAE]  }
0x29: {  	s4 =	sld [smem:$0x3FB0]  }
0x2a: {  	p0 =	seq.s32 s5, $0x0;
	s5 =	sld [smem:$0x3FB1]  }
0x2b: {  	s6 =	sld [smem:$0x3FB2]  }
0x2c: {  	s7 =	sld [smem:$0x3FB3]  }
0x2d: {  	s3 =	simm.s32 $0x108;
	s8 =	sld [smem:$0x3FB4]  }
0x2e: {  	s3 =	simm.s32 @!p0 $0x1082;
	s9 =	sld [smem:$0x3FB5]  }
0x2f: {  	lr =	sadd.s32 s0, s3;
	s0 =	sld [smem:$0x3FAC]  }
0x30: {  	s3 =	sld [smem:$0x3FAF]  }
0x31: {  	[smem:$0x3FB8] =	sst s10  }
0x32: {  	s10 =	sld [smem:$0x3FB6];
	_ =	sdelay $0x3  }
0x33: {  	p0 =	seq.s32 s10, $0x1;
	s10 =	sld [smem:$0x3FB8];
	_ =	sdelay $0x3  }
0x34: {  	[smem:$0x3FB8] =	sst s10  }
0x35: {  	s10 =	sld [smem:$0x3FB7];
	_ =	sdelay $0x3  }
0x36: {  	p1 =	seq.s32 s10, $0x1;
	s10 =	sld [smem:$0x3FB8];
	_ =	sdelay $0x3  }
0x37: {  	[smem:$0x3FB8] =	sst s10  }
0x38: {  	s10 =	sld [smem:$0x3FB9]  }
0x39: {  	_ = 	snop;
	(pc) =	sbr.ind lr, $3  }
0x3a: {  	_ = 	snop  }
0x3b: {  	_ = 	snop  }
0x3c: {  	p2 =	seq.s32 s10, $0x1;
	s10 =	sld [smem:$0x3FB8]  }
0x3d: {  	_ =	shalt  }
0x3e: {  	_ =	shalt  }
0x3f: {  	_ =	shalt  }
0x40: {  	_ =	shalt  }
0x41: {  	_ =	shalt  }
0x42: {  	_ =	shalt  }
0x43: {  	_ =	shalt  }
0x44: {  	_ =	shalt  }
0x45: {  	_ =	shalt  }
0x46: {  	_ =	shalt  }
0x47: {  	_ =	shalt  }
0x48: {  	_ =	shalt  }
0x49: {  	_ =	shalt  }
0x4a: {  	_ =	shalt  }
0x4b: {  	_ =	shalt  }
0x4c: {  	_ =	shalt  }
0x4d: {  	_ =	shalt  }
0x4e: {  	_ =	shalt  }
0x4f: {  	_ =	shalt  }
0x50: {  	_ =	shalt  }
0x51: {  	_ =	shalt  }
0x52: {  	_ =	shalt  }
0x53: {  	_ =	shalt  }
0x54: {  	_ =	shalt  }
0x55: {  	_ =	shalt  }
0x56: {  	_ =	shalt  }
0x57: {  	_ =	shalt  }
0x58: {  	_ =	shalt  }
0x59: {  	_ =	shalt  }
0x5a: {  	_ =	shalt  }
0x5b: {  	_ =	shalt  }
0x5c: {  	_ =	shalt  }
0x5d: {  	_ =	shalt  }
0x5e: {  	_ =	shalt  }
0x5f: {  	_ =	shalt  }
0x60: {  	_ =	shalt  }
0x61: {  	_ =	shalt  }
0x62: {  	_ =	shalt  }
0x63: {  	_ =	shalt  }
0x64: {  	_ =	shalt  }
0x65: {  	_ =	shalt  }
0x66: {  	_ =	shalt  }
0x67: {  	_ =	shalt  }
0x68: {  	_ =	shalt  }
0x69: {  	_ =	shalt  }
0x6a: {  	_ =	shalt  }
0x6b: {  	_ =	shalt  }
0x6c: {  	_ =	shalt  }
0x6d: {  	_ =	shalt  }
0x6e: {  	_ =	shalt  }
0x6f: {  	_ =	shalt  }
0x70: {  	_ =	shalt  }
0x71: {  	_ =	shalt  }
0x72: {  	_ =	shalt  }
0x73: {  	_ =	shalt  }
0x74: {  	_ =	shalt  }
0x75: {  	_ =	shalt  }
0x76: {  	_ =	shalt  }
0x77: {  	_ =	shalt  }
0x78: {  	_ =	shalt  }
0x79: {  	_ =	shalt  }
0x7a: {  	_ =	shalt  }
0x7b: {  	_ =	shalt  }
0x7c: {  	_ =	shalt  }
0x7d: {  	_ =	shalt  }
0x7e: {  	_ =	shalt  }
0x7f: {  	_ =	shalt  }
0x80: {  	_ =	shalt  }
0x81: {  	_ =	shalt  }
0x82: {  	_ =	shalt  }
0x83: {  	_ =	shalt  }
0x84: {  	_ =	shalt  }
0x85: {  	_ =	shalt  }
0x86: {  	_ =	shalt  }
0x87: {  	_ =	shalt  }
.Lfunc_end0:
.L_simem_size_0:
called_computation_lowered:
.L_overlay_start_0:
0x88: {  	s2 =	sld [smem:$0x3FD9]  }
0x89: {  	s3 =	sld [smem:$0x3FFE];
	_ =	sdelay $0x1  }
0x8a: {  	s1 =	srdreg.scid  }
0x8b: {  	s0 =	sand.u32 $0x1, s1  }
0x8c: {  	s17 =	sshll.u32 s0, $0xA;
	s2 =	sadd.s32 s3, s2  }
0x8d: {  	s2 =	sadd.s32 s2, s17  }
0x8e: {  	[smem:$0x3FC4] =	sst s2  }
0x8f: {  	_ = 	snop  }
0x90: {  	s2 =	sld [smem:$0x3FC8];
	(tm) =	ssettm $0x1  }
0x91: {  	s18 =	sld [smem:$0x3FFB];
	_ =	sdelay $0x3  }
0x92: {  	_ =	strace s18  }
0x93: {  	s3 =	sld [smem:$0x3FFC];
	_ =	sdelay $0x3  }
0x94: {  	_ =	strace s3  }
0x95: {  	s3 =	sld [smem:$0x3FFD];
	_ =	sdelay $0x3  }
0x96: {  	_ =	strace s3  }
0x97: {  	_ =	strace $0x8FFFFFFF  }
0x98: {  	s19 =	sld [smem:$0x3FDB];
	_ =	sdelay $0x1  }
0x99: {  	s4 =	simm.s32 $_scs_section_size  }
0x9a: {  	s5 =	simm.s32 $_size__tile_overlayer_lowered;
	s6 =	simm.s32 $_tile_overlayer_lowered  }
0x9b: {  	s22 =	simm.s32 $0x1BFF;
	s21 =	sshll.u32 s6, $0x1;
	s3 =	sadd.s32 s4, s19  }
0x9c: {  	s7 =	simm.s32 $0x0;
	s20 =	sshll.u32 s5, $0x1;
	s5 =	sadd.s32 s21, s3  }
0x9d: {  	[timem:s7], [sflag:s22] =	dma.local [hbm:s5], s20  }
0x9e: {  	_ =	swait.ge [sflag:s22], s20  }
0x9f: {  	s4 =	ssub.s32 $0x0, s20;
	[sflag:s22] =	ssyncset.done $0x0  }
0xa0: {  	[sflag:s22] =	ssyncadd.s32 s4;
	_ =	sdelay $0x1  }
0xa1: {  	s23 =	simm.s32 $0x1B8B  }
0xa2: {  	_ =	swait.ge [sflag:s23], $0x1  }
0xa3: {  	[sflag:s23] =	ssyncset.done $0x0  }
0xa4: {  	s25 =	simm.s32 $0x1B8E;
	s24 =	sld [smem:$0x3FFE];
	[sflag:s23] =	ssyncadd.s32 $0xFFFFFFFF  }
0xa5: {  	s26 =	simm.s32 $execute0_lowered;
	[smem:$0x3FD2] =	sst s25  }
0xa6: {  	s5 =	sshll.u32 s26, $0x1;
	_ =	strace $0x80000046;
	[dreg:$0x1] =	wrdreg $0xFFFFFFFF  }
0xa7: {  	s28 =	simm.s32 $_size_execute0_lowered;
	s3 =	sadd.s32 s3, s5;
	[dreg:$0x0] =	wrdreg $0x0  }
0xa8: {  	s5 =	sshll.u32 s28, $0x1;
	[dreg:$0x2] =	wrdreg s3  }
0xa9: {  	[dreg:$0x3] =	wrdreg s5  }
0xaa: {  	[dreg:$0x4] =	wrdreg $0xC0  }
0xab: {  	_ =	task [dreg:s7], $0x5FFFF  }
0xac: {  	[dreg:$0x1] =	wrdreg $0xFFFFFFFF  }
0xad: {  	[dreg:$0x0] =	wrdreg $0x60  }
0xae: {  	[dreg:$0x2] =	wrdreg s2  }
0xaf: {  	[dreg:$0x3] =	wrdreg s24  }
0xb0: {  	[dreg:$0x4] =	wrdreg $0x9  }
0xb1: {  	_ =	task.clear_ibuf [dreg:s7], $0x5FFFF;
	_ =	strace $0x90000046  }
0xb2: {  	s29 =	simm.s32 $0x9;
	_ =	strace $0x80000048  }
0xb3: {  	_ =	swait.ge [sflag:s29], $0x1  }
0xb4: {  	[sflag:s29] =	ssyncadd.s32 $0xFFFFFFFF  }
0xb5: {  	_ =	strace $0x90000048  }
0xb6: {  	_ =	sfence  }
0xb7: {  	s30 =	sld [smem:$0x0];
	_ =	sdelay $0x2  }
0xb8: {  	s31 =	sshll.u32 s1, $0xD;
	s1 =	sshrl.u32 s1, $0x2  }
0xb9: {  	s3 =	sand.u32 $0x4000, s31;
	s1 =	sadd.s32 s1, s30  }
0xba: {  	s0 =	sor.u32 s3, s0;
	s1 =	sshll.u32 s1, $0x11  }
0xbb: {  	s0 =	sor.u32 s1, s0  }
0xbc: {  	s0 =	sadd.s32 $0x8F2B, s0  }
0xbd: {  	[sflag:s0] =	ssyncadd.remote.s32 $0x1  }
0xbe: {  	_ =	sfence.sel $0xFFFF  }
0xbf: {  	[dreg:$0x0] =	wrdreg $0xFFFFFFFF;
	(pc) =	sbr.abs _section_cstart, $3  }
0xc0: {  	[dreg:$0x1] =	wrdreg $0xFFFFFFFF  }
0xc1: {  	_ =	task.clear_ibuf [dreg:s7], $0x2FFFF;
	_ =	strace $0x9FFFFFFF  }
0xc2: {  	(tm) =	ssettm $0x7FFFFFFF  }
0xc3: {  	_ =	shalt  }
tec
execute0_lowered:
.L_overlay_start_1:
0x0: {  	(tag) =	ssettag $0x1  }
0x1: {  	s3 =	rddreg [dreg:$0x0]  }
0x2: {  	s1 =	srdreg.scid;
	s0 =	stileid.u32  }
0x3: {  	s7 =	rddreg [dreg:$0x1];
	s8 =	sand.u32 $0x1, s1;
	s4 =	sshll.u32 s0, $0x1  }
0x4: {  	s2 =	simm.s32 $0x0;
	s1 =	rddreg [dreg:$0x2];
	s9 =	sor.u32 s8, s4  }
0x5: {  	[smem:$0x7FF] =	sst s2;
	s5 =	sshll.u32 s9, $0x5  }
0x6: {  	_ =	strace $0x80000047;
	s4 =	sadd.s32 s3, s5;
	s3 =	simm.s32 $0x1  }
0x7: {  	[tilespmem:s2], [sflag:$0x1] =	stream.linear.gather [hbm4b:s4+s2], $0x100, $0x38;
	[tilespmem:$0x280] =	vst v63  }
0x8: {  	_ =	swait.ge [sflag:s3], $0x100  }
0x9: {  	s5 =	sadd.s32 s5, s7;
	[sflag:s3] =	ssyncset.done $0x0  }
0xa: {  	s6 =	simm.s32 $0x100;
	s5 =	sadd.s32 $0x600, s5;
	[sflag:s3] =	ssyncadd.s32 $0xFFFFFF00  }
0xb: {  	[tilespmem:s6], [sflag:$0x1] =	stream.linear.gather [hbm4b:s5+s2], $0x100, $0x38;
	[tilespmem:$0x280] =	vst v63  }
0xc: {  	_ =	swait.ge [sflag:s3], $0x100  }
0xd: {  	[sflag:s3] =	ssyncset.done $0x0  }
0xe: {  	[sflag:s3] =	ssyncadd.s32 $0xFFFFFF00  }
0xf: {  	v0 =	vld [tilespmem:$0x0]  }
0x10: {  	v1 =	vld [tilespmem:$0x100]  }
0x11: {  	v2 =	vld [tilespmem:$0x10]  }
0x12: {  	v3 =	vld [tilespmem:$0x110]  }
0x13: {  	v4 =	vld [tilespmem:$0x20]  }
0x14: {  	v5 =	vld [tilespmem:$0x120]  }
0x15: {  	v6 =	vld [tilespmem:$0x30];
	v1 =	vadd.f32 $0.0e+00, v1  }
0x16: {  	v38 =	vld [tilespmem:$0x130];
	vm0 =	veq.s32 v0, $0x1;
	vm1 =	veq.s32 v2, $0x1  }
0x17: {  	v39 =	vld [tilespmem:$0x40];
	v2 =	vnsel vm1, $0x0, v3;
	v1 =	vnsel vm0, $0x0, v1  }
0x18: {  	v40 =	vld [tilespmem:$0x140];
	vm14 =	veq.s32 v4, $0x1;
	v1 =	vadd.f32 v2, v1  }
0x19: {  	v41 =	vld [tilespmem:$0x50];
	v4 =	vnsel vm14, $0x0, v5  }
0x1a: {  	v42 =	vld [tilespmem:$0x150];
	vm15 =	veq.s32 v6, $0x1;
	v1 =	vadd.f32 v4, v1  }
0x1b: {  	v43 =	vld [tilespmem:$0x60];
	v0 =	vnsel vm15, $0x0, v38  }
0x1c: {  	v44 =	vld [tilespmem:$0x160];
	vm4 =	veq.s32 v39, $0x1;
	v0 =	vadd.f32 v0, v1  }
0x1d: {  	v45 =	vld [tilespmem:$0x70];
	v2 =	vnsel vm4, $0x0, v40  }
0x1e: {  	v46 =	vld [tilespmem:$0x170];
	vm5 =	veq.s32 v41, $0x1;
	v0 =	vadd.f32 v2, v0  }
0x1f: {  	v47 =	vld [tilespmem:$0x80];
	v4 =	vnsel vm5, $0x0, v42  }
0x20: {  	v48 =	vld [tilespmem:$0x180];
	vm6 =	veq.s32 v43, $0x1;
	v0 =	vadd.f32 v4, v0  }
0x21: {  	v49 =	vld [tilespmem:$0x90];
	v1 =	vnsel vm6, $0x0, v44  }
0x22: {  	v50 =	vld [tilespmem:$0x190];
	vm7 =	veq.s32 v45, $0x1;
	v0 =	vadd.f32 v1, v0  }
0x23: {  	v51 =	vld [tilespmem:$0xA0];
	v2 =	vnsel vm7, $0x0, v46  }
0x24: {  	v52 =	vld [tilespmem:$0x1A0];
	vm8 =	veq.s32 v47, $0x1;
	v0 =	vadd.f32 v2, v0  }
0x25: {  	v53 =	vld [tilespmem:$0xB0];
	v4 =	vnsel vm8, $0x0, v48  }
0x26: {  	v54 =	vld [tilespmem:$0x1B0];
	vm9 =	veq.s32 v49, $0x1;
	v0 =	vadd.f32 v4, v0  }
0x27: {  	v55 =	vld [tilespmem:$0xC0];
	v1 =	vnsel vm9, $0x0, v50  }
0x28: {  	v56 =	vld [tilespmem:$0x1C0];
	vm10 =	veq.s32 v51, $0x1;
	v0 =	vadd.f32 v1, v0  }
0x29: {  	v57 =	vld [tilespmem:$0xD0];
	v2 =	vnsel vm10, $0x0, v52  }
0x2a: {  	v58 =	vld [tilespmem:$0x1D0];
	vm11 =	veq.s32 v53, $0x1;
	v0 =	vadd.f32 v2, v0  }
0x2b: {  	v59 =	vld [tilespmem:$0xE0];
	v4 =	vnsel vm11, $0x0, v54  }
0x2c: {  	v60 =	vld [tilespmem:$0x1E0];
	vm12 =	veq.s32 v55, $0x1;
	v0 =	vadd.f32 v4, v0  }
0x2d: {  	v61 =	vld [tilespmem:$0xF0];
	v1 =	vnsel vm12, $0x0, v56  }
0x2e: {  	v62 =	vld [tilespmem:$0x1F0];
	vm13 =	veq.s32 v57, $0x1;
	v0 =	vadd.f32 v1, v0  }
0x2f: {  	s8 =	ssub.s32 $0x2, s8;
	v2 =	vnsel vm13, $0x0, v58  }
0x30: {  	s10 =	sshrl.u32 s8, $0x1;
	vm14 =	veq.s32 v59, $0x1;
	v0 =	vadd.f32 v2, v0  }
0x31: {  	s8 =	ssub.s32 s8, s10;
	v63 =	vnsel vm14, $0x0, v60  }
0x32: {  	s31 =	smax.u32 s8, $0x1;
	vm15 =	veq.s32 v61, $0x1;
	v0 =	vadd.f32 v63, v0  }
0x33: {  	p0 =	sne.s32 s31, $0x1;
	v1 =	vnsel vm15, $0x0, v62  }
.Ltmp0:
0x34: {  	s9 =	sshll.u32 s9, $0x4;
	v0 =	vadd.f32 v1, v0;
	(pc) =	sbr.rel @!p0 .LBB2_2-.Ltmp0, $4  }
0x35: {  	s7 =	sadd.s32 s9, s7  }
0x36: {  	s7 =	sadd.s32 $0xA00, s7;
	s8 =	simm.s32 $0x200;
	[tilespmem:$0x200] =	vst v0  }
0x37: {  	[hbm4b:s7+s2] =	stream.linear.scatter [tilespmem:s8], [sflag:$0x1], $0x80, $0x38;
	[tilespmem:$0x280] =	vst v63  }
0x38: {  	s9 =	sadd.s32 $0xFFFFFFFF, s31;
	_ =	swait.ge [sflag:s3], $0x80  }
.LBB2_1:
0x39: {  	p0 =	sne.s32 s9, $0x1;
	s9 =	sadd.s32 $0xFFFFFFFF, s9;
	[sflag:s3] =	ssyncset.done $0x0  }
0x3a: {  	[sflag:s3] =	ssyncadd.s32 $0xFFFFFF80  }
0x3b: {  	[tilespmem:s2], [sflag:$0x1] =	stream.linear.gather [hbm4b:s4+s2], $0x100, $0x38;
	[tilespmem:$0x280] =	vst v63  }
0x3c: {  	_ =	swait.ge [sflag:s3], $0x100  }
0x3d: {  	[sflag:s3] =	ssyncset.done $0x0  }
0x3e: {  	[sflag:s3] =	ssyncadd.s32 $0xFFFFFF00  }
0x3f: {  	[tilespmem:s6], [sflag:$0x1] =	stream.linear.gather [hbm4b:s5+s2], $0x100, $0x38;
	[tilespmem:$0x280] =	vst v63  }
0x40: {  	_ =	swait.ge [sflag:s3], $0x100  }
0x41: {  	[sflag:s3] =	ssyncset.done $0x0  }
0x42: {  	[sflag:s3] =	ssyncadd.s32 $0xFFFFFF00  }
0x43: {  	v0 =	vld [tilespmem:$0x0]  }
0x44: {  	v1 =	vld [tilespmem:$0x100]  }
0x45: {  	v2 =	vld [tilespmem:$0x10]  }
0x46: {  	v3 =	vld [tilespmem:$0x110]  }
0x47: {  	v4 =	vld [tilespmem:$0x20]  }
0x48: {  	v5 =	vld [tilespmem:$0x120]  }
0x49: {  	v1 =	vadd.f32 $0.0e+00, v1;
	v6 =	vld [tilespmem:$0x30]  }
0x4a: {  	vm0 =	veq.s32 v0, $0x1;
	vm1 =	veq.s32 v2, $0x1;
	v0 =	vld [tilespmem:$0x130]  }
0x4b: {  	v1 =	vnsel vm0, $0x0, v1;
	v2 =	vnsel vm1, $0x0, v3;
	v3 =	vld [tilespmem:$0x40]  }
0x4c: {  	v1 =	vadd.f32 v2, v1;
	vm0 =	veq.s32 v4, $0x1;
	v2 =	vld [tilespmem:$0x140]  }
0x4d: {  	v4 =	vnsel vm0, $0x0, v5;
	v5 =	vld [tilespmem:$0x50]  }
0x4e: {  	v1 =	vadd.f32 v4, v1;
	vm0 =	veq.s32 v6, $0x1;
	v4 =	vld [tilespmem:$0x150]  }
0x4f: {  	v0 =	vnsel vm0, $0x0, v0;
	v6 =	vld [tilespmem:$0x60]  }
0x50: {  	v0 =	vadd.f32 v0, v1;
	vm0 =	veq.s32 v3, $0x1;
	v1 =	vld [tilespmem:$0x160]  }
0x51: {  	v2 =	vnsel vm0, $0x0, v2;
	v3 =	vld [tilespmem:$0x70]  }
0x52: {  	v0 =	vadd.f32 v2, v0;
	vm0 =	veq.s32 v5, $0x1;
	v2 =	vld [tilespmem:$0x170]  }
0x53: {  	v4 =	vnsel vm0, $0x0, v4;
	v5 =	vld [tilespmem:$0x80]  }
0x54: {  	v0 =	vadd.f32 v4, v0;
	vm0 =	veq.s32 v6, $0x1;
	v4 =	vld [tilespmem:$0x180]  }
0x55: {  	v1 =	vnsel vm0, $0x0, v1;
	v6 =	vld [tilespmem:$0x90]  }
0x56: {  	v0 =	vadd.f32 v1, v0;
	vm0 =	veq.s32 v3, $0x1;
	v1 =	vld [tilespmem:$0x190]  }
0x57: {  	v2 =	vnsel vm0, $0x0, v2;
	v3 =	vld [tilespmem:$0xA0]  }
0x58: {  	v0 =	vadd.f32 v2, v0;
	vm0 =	veq.s32 v5, $0x1;
	v2 =	vld [tilespmem:$0x1A0]  }
0x59: {  	v4 =	vnsel vm0, $0x0, v4;
	v5 =	vld [tilespmem:$0xB0]  }
0x5a: {  	v0 =	vadd.f32 v4, v0;
	vm0 =	veq.s32 v6, $0x1;
	v4 =	vld [tilespmem:$0x1B0]  }
0x5b: {  	v1 =	vnsel vm0, $0x0, v1;
	v6 =	vld [tilespmem:$0xC0]  }
0x5c: {  	v0 =	vadd.f32 v1, v0;
	vm0 =	veq.s32 v3, $0x1;
	v1 =	vld [tilespmem:$0x1C0]  }
0x5d: {  	v2 =	vnsel vm0, $0x0, v2;
	v3 =	vld [tilespmem:$0xD0]  }
0x5e: {  	v0 =	vadd.f32 v2, v0;
	vm0 =	veq.s32 v5, $0x1;
	v2 =	vld [tilespmem:$0x1D0]  }
0x5f: {  	v4 =	vnsel vm0, $0x0, v4;
	v5 =	vld [tilespmem:$0xE0]  }
0x60: {  	v0 =	vadd.f32 v4, v0;
	vm0 =	veq.s32 v6, $0x1;
	v4 =	vld [tilespmem:$0x1E0]  }
0x61: {  	v1 =	vnsel vm0, $0x0, v1;
	v6 =	vld [tilespmem:$0xF0]  }
0x62: {  	v0 =	vadd.f32 v1, v0;
	vm0 =	veq.s32 v3, $0x1;
	v1 =	vld [tilespmem:$0x1F0]  }
0x63: {  	v2 =	vnsel vm0, $0x0, v2  }
0x64: {  	v0 =	vadd.f32 v2, v0;
	vm0 =	veq.s32 v5, $0x1  }
0x65: {  	v2 =	vnsel vm0, $0x0, v4  }
0x66: {  	v0 =	vadd.f32 v2, v0;
	vm0 =	veq.s32 v6, $0x1  }
0x67: {  	v1 =	vnsel vm0, $0x0, v1  }
.Ltmp1:
0x68: {  	v0 =	vadd.f32 v1, v0;
	(pc) =	sbr.rel @p0 .LBB2_1-.Ltmp1, $4  }
0x69: {  	_ = 	snop  }
0x6a: {  	[tilespmem:$0x200] =	vst v0  }
0x6b: {  	[hbm4b:s7+s2] =	stream.linear.scatter [tilespmem:s8], [sflag:$0x1], $0x80, $0x38;
	[tilespmem:$0x280] =	vst v63  }
0x6c: {  	_ =	swait.ge [sflag:s3], $0x80  }
.LBB2_2:
0x6d: {  	[sflag:s3] =	ssyncset.done $0x0  }
0x6e: {  	[sflag:s3] =	ssyncadd.s32 $0xFFFFFF80  }
0x6f: {  	_ =	sfence.sel $0x180000  }
0x70: {  	[bflag:$0x0] =	sbarrier.arrive $0xFFFF  }
0x71: {  	p0 =	sne.s32 s0, $0x0;
	_ =	strace $0x90000047  }
0x72: {  	s0 =	sadd.s32 @!p0 $0x100000, s1;
	[bflag:$0x2] =	sbarrier.arrive $0xFFFF  }
0x73: {  	[sflag:s0] =	ssyncadd.tile.s32 @!p0 $0x1;
	_ =	shalt  }
.Lfunc_end2:
_tile_overlayer_lowered:
.L_overlay_start_2:
0x74: {  	(tag) =	ssettag $0x2  }
0x75: {  	s0 =	rddreg [dreg:$0x0];
	s2 =	stileid.u32  }
0x76: {  	s1 =	rddreg [dreg:$0x1];
	p0 =	sne.s32 s2, $0x0  }
0x77: {  	s3 =	rddreg [dreg:$0x2];
	[bflag:$0x3] =	sbarrier.arrive $0xFFFF;
	s2 =	simm.s32 @!p0 $0x1C01  }
0x78: {  	[timem:s3], [sflag:s2] =	dma.local @!p0 [hbm:s0], s1  }
0x79: {  	s0 =	simm.s32 @!p0 $0x1  }
0x7a: {  	_ =	swait.ge @!p0 [sflag:s0], s1  }
0x7b: {  	s1 =	ssub.s32 @!p0 $0x0, s1;
	[sflag:s0] =	ssyncset.done @!p0 $0x0  }
0x7c: {  	[sflag:s0] =	ssyncadd.s32 @!p0 s1  }
0x7d: {  	[bflag:$0x3] =	sbarrier.arrive $0xFFFF  }
0x7e: {  	_ =	shalt  }

</sc_bundles>
